<compile_context>
chip_gen: v7x
topology: tpu7x:2x2x1
jax: 0.10.2.dev20260603
libtpu: 0.0.44.dev20260713+nightly
codegen_flags: <defaults>
</compile_context>

<pallas_src>
import functools

import jax
import jax.numpy as jnp
from jax import lax
from jax.experimental import pallas as pl
from jax.experimental.pallas import tpu as pltpu
from jax.experimental.pallas import tpu_sc as plsc

_TD = 64
_SD = 32
_CHUNK = 128


@functools.lru_cache(maxsize=None)
def _make_gather(B, VT, VS):
    info = plsc.get_sparse_core_info()
    NC, NS = info.num_cores, info.num_subcores
    NW = NC * NS
    bpw = B // NW
    nchunks = bpw // _CHUNK

    mesh = plsc.VectorSubcoreMesh(core_axis_name="c", subcore_axis_name="s")

    @functools.partial(
        pl.kernel,
        mesh=mesh,
        out_type=jax.ShapeDtypeStruct((B, _TD + _SD), jnp.float32),
        scratch_types=[
            pltpu.VMEM((bpw,), jnp.int32),
            pltpu.VMEM((bpw,), jnp.int32),
            pltpu.VMEM((_CHUNK, _TD), jnp.float32),
            pltpu.VMEM((_CHUNK, _TD), jnp.float32),
            pltpu.VMEM((_CHUNK, _SD), jnp.float32),
            pltpu.VMEM((_CHUNK, _SD), jnp.float32),
            pltpu.SemaphoreType.DMA,
            pltpu.SemaphoreType.DMA,
        ],
        compiler_params=pltpu.CompilerParams(use_tc_tiling_on_sc=False),
    )
    def gather(t_hbm, s_hbm, title_hbm, sub_hbm, out,
               ti_v, si_v, tr0, tr1, sr0, sr1, gsem, ssem):
        wid = lax.axis_index("s") * NC + lax.axis_index("c")
        base = wid * bpw
        hi = pltpu.async_copy(t_hbm.at[pl.ds(base, bpw)], ti_v, gsem)
        hs = pltpu.async_copy(s_hbm.at[pl.ds(base, bpw)], si_v, gsem)
        hi.wait()
        hs.wait()
        trows = (tr0, tr1)
        srows = (sr0, sr1)
        gh = []
        sh = []
        for j in range(nchunks):
            b = j % 2
            sl = pl.ds(j * _CHUNK, _CHUNK)
            if j >= 2:
                sh[2 * (j - 2)].wait()
                sh[2 * (j - 2) + 1].wait()
            gh.append(pltpu.async_copy(
                title_hbm.at[ti_v.at[sl]], trows[b], gsem))
            gh.append(pltpu.async_copy(
                sub_hbm.at[si_v.at[sl]], srows[b], gsem))
            if j >= 1:
                gh[2 * (j - 1)].wait()
                gh[2 * (j - 1) + 1].wait()
                rows = pl.ds(base + (j - 1) * _CHUNK, _CHUNK)
                sh.append(pltpu.async_copy(
                    trows[1 - b], out.at[rows, pl.ds(0, _TD)], ssem))
                sh.append(pltpu.async_copy(
                    srows[1 - b], out.at[rows, pl.ds(_TD, _SD)], ssem))
        j = nchunks - 1
        gh[2 * j].wait()
        gh[2 * j + 1].wait()
        rows = pl.ds(base + j * _CHUNK, _CHUNK)
        sh.append(pltpu.async_copy(
            trows[j % 2], out.at[rows, pl.ds(0, _TD)], ssem))
        sh.append(pltpu.async_copy(
            srows[j % 2], out.at[rows, pl.ds(_TD, _SD)], ssem))
        for h in sh[-4:]:
            h.wait()

    return gather


def kernel(topic, subtopic, title_embed, subtopic_embed):
    B = topic.shape[0]
    t = topic.astype(jnp.int32)
    s = subtopic.astype(jnp.int32)
    return _make_gather(
        B, title_embed.shape[0], subtopic_embed.shape[0])(
            t, s, title_embed, subtopic_embed)

# --- scband reference (transcript-rebuilt; emitter-appended) ---
"""Pipeline reference for scband-topic-encoder-13297218748987 (READ-ONLY COPY).

The authoritative reference and input builder live on the scoring server;
editing this copy changes nothing except your own understanding.
"""

import jax, jax.numpy as jnp
import numpy as np

TOPIC_SIZE = 1000000
SUBTOPIC_SIZE = 100000
TOPIC_DIM = 64
SUBTOPIC_DIM = 32
BATCH = 16384


def setup_inputs(seed: int = 0) -> dict:
    key = jax.random.key(seed)
    k1, k2, k3, k4 = jax.random.split(key, 4)
    topic = jax.random.randint(k1, (BATCH,), 0, TOPIC_SIZE, dtype=jnp.int64) if jax.config.jax_enable_x64 else jax.random.randint(k1, (BATCH,), 0, TOPIC_SIZE).astype(jnp.int32)
    subtopic = jax.random.randint(k2, (BATCH,), 0, SUBTOPIC_SIZE).astype(jnp.int32)
    title_embed = jax.random.normal(k3, (TOPIC_SIZE, TOPIC_DIM), dtype=jnp.float32)
    subtopic_embed = jax.random.normal(k4, (SUBTOPIC_SIZE, SUBTOPIC_DIM), dtype=jnp.float32)
    return {
        "topic": topic,
        "subtopic": subtopic,
        "title_embed": title_embed,
        "subtopic_embed": subtopic_embed,
    }


def reference(topic, subtopic, title_embed, subtopic_embed):
    # nn.Embedding lookup -> gather rows
    topic_vecs = jnp.take(title_embed, topic, axis=0)        # [B, topic_dim]
    subtopic_vecs = jnp.take(subtopic_embed, subtopic, axis=0)  # [B, subtopic_dim]
    # th.hstack on 2D tensors concatenates along axis=1
    return jnp.concatenate([topic_vecs, subtopic_vecs], axis=1)  # [B, topic_dim+subtopic_dim]

if __name__ == "__main__":
    import jax
    _d = setup_inputs()
    print(jax.jit(kernel)(*tuple(_d.values())))

</pallas_src>

<mosaic_0001>
#map = affine_map<(d0, d1) -> (0)>
#map1 = affine_map<(d0, d1) -> (0, 0)>
module attributes {stable_mosaic.version = 14 : i64} {
  func.func @gather(%arg0: i32, %arg1: i32, %arg2: memref<16384xi32, #tpu.memory_space<hbm>>, %arg3: memref<16384xi32, #tpu.memory_space<hbm>>, %arg4: memref<1000000x64xf32, #tpu.memory_space<hbm>>, %arg5: memref<100000x32xf32, #tpu.memory_space<hbm>>, %arg6: memref<16384x96xf32, #tpu.memory_space<hbm>>, %arg7: memref<512xi32, #tpu.memory_space<vmem>>, %arg8: memref<512xi32, #tpu.memory_space<vmem>>, %arg9: memref<128x64xf32, #tpu.memory_space<vmem>>, %arg10: memref<128x64xf32, #tpu.memory_space<vmem>>, %arg11: memref<128x32xf32, #tpu.memory_space<vmem>>, %arg12: memref<128x32xf32, #tpu.memory_space<vmem>>, %arg13: memref<!tpu.dma_semaphore, #tpu.memory_space<semaphore_mem>>, %arg14: memref<!tpu.dma_semaphore, #tpu.memory_space<semaphore_mem>>) attributes {dimension_semantics = [#tpu.dimension_semantics<core_parallel>, #tpu.dimension_semantics<subcore_parallel>], iteration_bounds = array<i64: 2, 16>, scalar_prefetch = 0 : i64, scratch_operands = 8 : i64, tpu.core_type = #tpu.core_type<sc_vector_subcore>, window_params = [{transform_indices = #map}, {transform_indices = #map}, {transform_indices = #map1}, {transform_indices = #map1}, {transform_indices = #map1}]} {
    %mul3A = arith.constant 2 : i32
    %mul3A_0 = arith.muli %arg1, %mul3A : i32
    %add3A = arith.addi %mul3A_0, %arg0 : i32
    %mul3A_1 = arith.constant 512 : i32
    %mul3A_2 = arith.muli %add3A, %mul3A_1 : i32
    %dma_start3A = tpu.memref_slice %arg2[%mul3A_2] : memref<16384xi32, #tpu.memory_space<hbm>> -> memref<512xi32, #tpu.memory_space<hbm>>
    %dma_start3A_3 = tpu.memref_slice %arg2[%mul3A_2] : memref<16384xi32, #tpu.memory_space<hbm>> -> memref<512xi32, #tpu.memory_space<hbm>>
    tpu.enqueue_dma source(%dma_start3A_3 : memref<512xi32, #tpu.memory_space<hbm>>) target(%arg7 : memref<512xi32, #tpu.memory_space<vmem>>) target_semaphore(%arg13 : memref<!tpu.dma_semaphore, #tpu.memory_space<semaphore_mem>>)
    %dma_start3A_4 = tpu.memref_slice %arg3[%mul3A_2] : memref<16384xi32, #tpu.memory_space<hbm>> -> memref<512xi32, #tpu.memory_space<hbm>>
    %dma_start3A_5 = tpu.memref_slice %arg3[%mul3A_2] : memref<16384xi32, #tpu.memory_space<hbm>> -> memref<512xi32, #tpu.memory_space<hbm>>
    tpu.enqueue_dma source(%dma_start3A_5 : memref<512xi32, #tpu.memory_space<hbm>>) target(%arg8 : memref<512xi32, #tpu.memory_space<vmem>>) target_semaphore(%arg13 : memref<!tpu.dma_semaphore, #tpu.memory_space<semaphore_mem>>)
    %dma_wait3A = tpu.memref_slice %arg2[%mul3A_2] : memref<16384xi32, #tpu.memory_space<hbm>> -> memref<512xi32, #tpu.memory_space<hbm>>
    %dma_wait3A_6 = tpu.memref_slice %arg2[%mul3A_2] : memref<16384xi32, #tpu.memory_space<hbm>> -> memref<512xi32, #tpu.memory_space<hbm>>
    tpu.wait_dma2 semaphore(%arg13 : memref<!tpu.dma_semaphore, #tpu.memory_space<semaphore_mem>>) src(%dma_wait3A_6 : memref<512xi32, #tpu.memory_space<hbm>>) dst(%arg7 : memref<512xi32, #tpu.memory_space<vmem>>)
    %dma_wait3A_7 = tpu.memref_slice %arg3[%mul3A_2] : memref<16384xi32, #tpu.memory_space<hbm>> -> memref<512xi32, #tpu.memory_space<hbm>>
    %dma_wait3A_8 = tpu.memref_slice %arg3[%mul3A_2] : memref<16384xi32, #tpu.memory_space<hbm>> -> memref<512xi32, #tpu.memory_space<hbm>>
    tpu.wait_dma2 semaphore(%arg13 : memref<!tpu.dma_semaphore, #tpu.memory_space<semaphore_mem>>) src(%dma_wait3A_8 : memref<512xi32, #tpu.memory_space<hbm>>) dst(%arg8 : memref<512xi32, #tpu.memory_space<vmem>>)
    %dma_start3A_9 = arith.constant 0 : i32
    %dma_start3A_10 = tpu.memref_slice %arg7[%dma_start3A_9] : memref<512xi32, #tpu.memory_space<vmem>> -> memref<128xi32, #tpu.memory_space<vmem>>
    %dma_start3A_11 = arith.constant 0 : i32
    %dma_start3A_12 = arith.constant 0 : i32
    %dma_start3A_13 = tpu.memref_slice %arg4[%dma_start3A_11, %dma_start3A_12] : memref<1000000x64xf32, #tpu.memory_space<hbm>> -> memref<1000000x64xf32, #tpu.memory_space<hbm>>
    tpu.enqueue_indirect_dma source(%dma_start3A_13 : memref<1000000x64xf32, #tpu.memory_space<hbm>>) target(%arg9 : memref<128x64xf32, #tpu.memory_space<vmem>>) offsets(%dma_start3A_10 : memref<128xi32, #tpu.memory_space<vmem>>) semaphore(%arg13 : memref<!tpu.dma_semaphore, #tpu.memory_space<semaphore_mem>>)
    %dma_start3A_14 = arith.constant 0 : i32
    %dma_start3A_15 = tpu.memref_slice %arg8[%dma_start3A_14] : memref<512xi32, #tpu.memory_space<vmem>> -> memref<128xi32, #tpu.memory_space<vmem>>
    %dma_start3A_16 = arith.constant 0 : i32
    %dma_start3A_17 = arith.constant 0 : i32
    %dma_start3A_18 = tpu.memref_slice %arg5[%dma_start3A_16, %dma_start3A_17] : memref<100000x32xf32, #tpu.memory_space<hbm>> -> memref<100000x32xf32, #tpu.memory_space<hbm>>
    tpu.enqueue_indirect_dma source(%dma_start3A_18 : memref<100000x32xf32, #tpu.memory_space<hbm>>) target(%arg11 : memref<128x32xf32, #tpu.memory_space<vmem>>) offsets(%dma_start3A_15 : memref<128xi32, #tpu.memory_space<vmem>>) semaphore(%arg13 : memref<!tpu.dma_semaphore, #tpu.memory_space<semaphore_mem>>)
    %dma_start3A_19 = arith.constant 128 : i32
    %dma_start3A_20 = tpu.memref_slice %arg7[%dma_start3A_19] : memref<512xi32, #tpu.memory_space<vmem>> -> memref<128xi32, #tpu.memory_space<vmem>>
    %dma_start3A_21 = arith.constant 0 : i32
    %dma_start3A_22 = arith.constant 0 : i32
    %dma_start3A_23 = tpu.memref_slice %arg4[%dma_start3A_21, %dma_start3A_22] : memref<1000000x64xf32, #tpu.memory_space<hbm>> -> memref<1000000x64xf32, #tpu.memory_space<hbm>>
    tpu.enqueue_indirect_dma source(%dma_start3A_23 : memref<1000000x64xf32, #tpu.memory_space<hbm>>) target(%arg10 : memref<128x64xf32, #tpu.memory_space<vmem>>) offsets(%dma_start3A_20 : memref<128xi32, #tpu.memory_space<vmem>>) semaphore(%arg13 : memref<!tpu.dma_semaphore, #tpu.memory_space<semaphore_mem>>)
    %dma_start3A_24 = arith.constant 128 : i32
    %dma_start3A_25 = tpu.memref_slice %arg8[%dma_start3A_24] : memref<512xi32, #tpu.memory_space<vmem>> -> memref<128xi32, #tpu.memory_space<vmem>>
    %dma_start3A_26 = arith.constant 0 : i32
    %dma_start3A_27 = arith.constant 0 : i32
    %dma_start3A_28 = tpu.memref_slice %arg5[%dma_start3A_26, %dma_start3A_27] : memref<100000x32xf32, #tpu.memory_space<hbm>> -> memref<100000x32xf32, #tpu.memory_space<hbm>>
    tpu.enqueue_indirect_dma source(%dma_start3A_28 : memref<100000x32xf32, #tpu.memory_space<hbm>>) target(%arg12 : memref<128x32xf32, #tpu.memory_space<vmem>>) offsets(%dma_start3A_25 : memref<128xi32, #tpu.memory_space<vmem>>) semaphore(%arg13 : memref<!tpu.dma_semaphore, #tpu.memory_space<semaphore_mem>>)
    %dma_wait3A_29 = arith.constant 0 : i32
    %dma_wait3A_30 = tpu.memref_slice %arg7[%dma_wait3A_29] : memref<512xi32, #tpu.memory_space<vmem>> -> memref<128xi32, #tpu.memory_space<vmem>>
    %dma_wait3A_31 = arith.constant 0 : i32
    %dma_wait3A_32 = arith.constant 0 : i32
    %dma_wait3A_33 = tpu.memref_slice %arg4[%dma_wait3A_31, %dma_wait3A_32] : memref<1000000x64xf32, #tpu.memory_space<hbm>> -> memref<1000000x64xf32, #tpu.memory_space<hbm>>
    tpu.wait_indirect_dma semaphore(%arg13 : memref<!tpu.dma_semaphore, #tpu.memory_space<semaphore_mem>>) src(%dma_wait3A_33 : memref<1000000x64xf32, #tpu.memory_space<hbm>>) dst(%arg9 : memref<128x64xf32, #tpu.memory_space<vmem>>)
    %dma_wait3A_34 = arith.constant 0 : i32
    %dma_wait3A_35 = tpu.memref_slice %arg8[%dma_wait3A_34] : memref<512xi32, #tpu.memory_space<vmem>> -> memref<128xi32, #tpu.memory_space<vmem>>
    %dma_wait3A_36 = arith.constant 0 : i32
    %dma_wait3A_37 = arith.constant 0 : i32
    %dma_wait3A_38 = tpu.memref_slice %arg5[%dma_wait3A_36, %dma_wait3A_37] : memref<100000x32xf32, #tpu.memory_space<hbm>> -> memref<100000x32xf32, #tpu.memory_space<hbm>>
    tpu.wait_indirect_dma semaphore(%arg13 : memref<!tpu.dma_semaphore, #tpu.memory_space<semaphore_mem>>) src(%dma_wait3A_38 : memref<100000x32xf32, #tpu.memory_space<hbm>>) dst(%arg11 : memref<128x32xf32, #tpu.memory_space<vmem>>)
    %add3A_39 = arith.constant 0 : i32
    %add3A_40 = arith.addi %mul3A_2, %add3A_39 : i32
    %dma_start3A_41 = arith.constant 0 : i32
    %dma_start3A_42 = tpu.memref_slice %arg6[%add3A_40, %dma_start3A_41] : memref<16384x96xf32, #tpu.memory_space<hbm>> -> memref<128x64xf32, #tpu.memory_space<hbm>>
    %dma_start3A_43 = arith.constant 0 : i32
    %dma_start3A_44 = tpu.memref_slice %arg6[%add3A_40, %dma_start3A_43] : memref<16384x96xf32, #tpu.memory_space<hbm>> -> memref<128x64xf32, #tpu.memory_space<hbm>>
    tpu.enqueue_dma source(%arg9 : memref<128x64xf32, #tpu.memory_space<vmem>>) target(%dma_start3A_44 : memref<128x64xf32, #tpu.memory_space<hbm>>) target_semaphore(%arg14 : memref<!tpu.dma_semaphore, #tpu.memory_space<semaphore_mem>>)
    %dma_start3A_45 = arith.constant 64 : i32
    %dma_start3A_46 = tpu.memref_slice %arg6[%add3A_40, %dma_start3A_45] : memref<16384x96xf32, #tpu.memory_space<hbm>> -> memref<128x32xf32, #tpu.memory_space<hbm>>
    %dma_start3A_47 = arith.constant 64 : i32
    %dma_start3A_48 = tpu.memref_slice %arg6[%add3A_40, %dma_start3A_47] : memref<16384x96xf32, #tpu.memory_space<hbm>> -> memref<128x32xf32, #tpu.memory_space<hbm>>
    tpu.enqueue_dma source(%arg11 : memref<128x32xf32, #tpu.memory_space<vmem>>) target(%dma_start3A_48 : memref<128x32xf32, #tpu.memory_space<hbm>>) target_semaphore(%arg14 : memref<!tpu.dma_semaphore, #tpu.memory_space<semaphore_mem>>)
    %dma_wait3A_49 = arith.constant 0 : i32
    %dma_wait3A_50 = tpu.memref_slice %arg6[%add3A_40, %dma_wait3A_49] : memref<16384x96xf32, #tpu.memory_space<hbm>> -> memref<128x64xf32, #tpu.memory_space<hbm>>
    %dma_wait3A_51 = arith.constant 0 : i32
    %dma_wait3A_52 = tpu.memref_slice %arg6[%add3A_40, %dma_wait3A_51] : memref<16384x96xf32, #tpu.memory_space<hbm>> -> memref<128x64xf32, #tpu.memory_space<hbm>>
    tpu.wait_dma2 semaphore(%arg14 : memref<!tpu.dma_semaphore, #tpu.memory_space<semaphore_mem>>) src(%arg9 : memref<128x64xf32, #tpu.memory_space<vmem>>) dst(%dma_wait3A_52 : memref<128x64xf32, #tpu.memory_space<hbm>>)
    %dma_wait3A_53 = arith.constant 64 : i32
    %dma_wait3A_54 = tpu.memref_slice %arg6[%add3A_40, %dma_wait3A_53] : memref<16384x96xf32, #tpu.memory_space<hbm>> -> memref<128x32xf32, #tpu.memory_space<hbm>>
    %dma_wait3A_55 = arith.constant 64 : i32
    %dma_wait3A_56 = tpu.memref_slice %arg6[%add3A_40, %dma_wait3A_55] : memref<16384x96xf32, #tpu.memory_space<hbm>> -> memref<128x32xf32, #tpu.memory_space<hbm>>
    tpu.wait_dma2 semaphore(%arg14 : memref<!tpu.dma_semaphore, #tpu.memory_space<semaphore_mem>>) src(%arg11 : memref<128x32xf32, #tpu.memory_space<vmem>>) dst(%dma_wait3A_56 : memref<128x32xf32, #tpu.memory_space<hbm>>)
    %dma_start3A_57 = arith.constant 256 : i32
    %dma_start3A_58 = tpu.memref_slice %arg7[%dma_start3A_57] : memref<512xi32, #tpu.memory_space<vmem>> -> memref<128xi32, #tpu.memory_space<vmem>>
    %dma_start3A_59 = arith.constant 0 : i32
    %dma_start3A_60 = arith.constant 0 : i32
    %dma_start3A_61 = tpu.memref_slice %arg4[%dma_start3A_59, %dma_start3A_60] : memref<1000000x64xf32, #tpu.memory_space<hbm>> -> memref<1000000x64xf32, #tpu.memory_space<hbm>>
    tpu.enqueue_indirect_dma source(%dma_start3A_61 : memref<1000000x64xf32, #tpu.memory_space<hbm>>) target(%arg9 : memref<128x64xf32, #tpu.memory_space<vmem>>) offsets(%dma_start3A_58 : memref<128xi32, #tpu.memory_space<vmem>>) semaphore(%arg13 : memref<!tpu.dma_semaphore, #tpu.memory_space<semaphore_mem>>)
    %dma_start3A_62 = arith.constant 256 : i32
    %dma_start3A_63 = tpu.memref_slice %arg8[%dma_start3A_62] : memref<512xi32, #tpu.memory_space<vmem>> -> memref<128xi32, #tpu.memory_space<vmem>>
    %dma_start3A_64 = arith.constant 0 : i32
    %dma_start3A_65 = arith.constant 0 : i32
    %dma_start3A_66 = tpu.memref_slice %arg5[%dma_start3A_64, %dma_start3A_65] : memref<100000x32xf32, #tpu.memory_space<hbm>> -> memref<100000x32xf32, #tpu.memory_space<hbm>>
    tpu.enqueue_indirect_dma source(%dma_start3A_66 : memref<100000x32xf32, #tpu.memory_space<hbm>>) target(%arg11 : memref<128x32xf32, #tpu.memory_space<vmem>>) offsets(%dma_start3A_63 : memref<128xi32, #tpu.memory_space<vmem>>) semaphore(%arg13 : memref<!tpu.dma_semaphore, #tpu.memory_space<semaphore_mem>>)
    %dma_wait3A_67 = arith.constant 128 : i32
    %dma_wait3A_68 = tpu.memref_slice %arg7[%dma_wait3A_67] : memref<512xi32, #tpu.memory_space<vmem>> -> memref<128xi32, #tpu.memory_space<vmem>>
    %dma_wait3A_69 = arith.constant 0 : i32
    %dma_wait3A_70 = arith.constant 0 : i32
    %dma_wait3A_71 = tpu.memref_slice %arg4[%dma_wait3A_69, %dma_wait3A_70] : memref<1000000x64xf32, #tpu.memory_space<hbm>> -> memref<1000000x64xf32, #tpu.memory_space<hbm>>
    tpu.wait_indirect_dma semaphore(%arg13 : memref<!tpu.dma_semaphore, #tpu.memory_space<semaphore_mem>>) src(%dma_wait3A_71 : memref<1000000x64xf32, #tpu.memory_space<hbm>>) dst(%arg10 : memref<128x64xf32, #tpu.memory_space<vmem>>)
    %dma_wait3A_72 = arith.constant 128 : i32
    %dma_wait3A_73 = tpu.memref_slice %arg8[%dma_wait3A_72] : memref<512xi32, #tpu.memory_space<vmem>> -> memref<128xi32, #tpu.memory_space<vmem>>
    %dma_wait3A_74 = arith.constant 0 : i32
    %dma_wait3A_75 = arith.constant 0 : i32
    %dma_wait3A_76 = tpu.memref_slice %arg5[%dma_wait3A_74, %dma_wait3A_75] : memref<100000x32xf32, #tpu.memory_space<hbm>> -> memref<100000x32xf32, #tpu.memory_space<hbm>>
    tpu.wait_indirect_dma semaphore(%arg13 : memref<!tpu.dma_semaphore, #tpu.memory_space<semaphore_mem>>) src(%dma_wait3A_76 : memref<100000x32xf32, #tpu.memory_space<hbm>>) dst(%arg12 : memref<128x32xf32, #tpu.memory_space<vmem>>)
    %add3A_77 = arith.constant 128 : i32
    %add3A_78 = arith.addi %mul3A_2, %add3A_77 : i32
    %dma_start3A_79 = arith.constant 0 : i32
    %dma_start3A_80 = tpu.memref_slice %arg6[%add3A_78, %dma_start3A_79] : memref<16384x96xf32, #tpu.memory_space<hbm>> -> memref<128x64xf32, #tpu.memory_space<hbm>>
    %dma_start3A_81 = arith.constant 0 : i32
    %dma_start3A_82 = tpu.memref_slice %arg6[%add3A_78, %dma_start3A_81] : memref<16384x96xf32, #tpu.memory_space<hbm>> -> memref<128x64xf32, #tpu.memory_space<hbm>>
    tpu.enqueue_dma source(%arg10 : memref<128x64xf32, #tpu.memory_space<vmem>>) target(%dma_start3A_82 : memref<128x64xf32, #tpu.memory_space<hbm>>) target_semaphore(%arg14 : memref<!tpu.dma_semaphore, #tpu.memory_space<semaphore_mem>>)
    %dma_start3A_83 = arith.constant 64 : i32
    %dma_start3A_84 = tpu.memref_slice %arg6[%add3A_78, %dma_start3A_83] : memref<16384x96xf32, #tpu.memory_space<hbm>> -> memref<128x32xf32, #tpu.memory_space<hbm>>
    %dma_start3A_85 = arith.constant 64 : i32
    %dma_start3A_86 = tpu.memref_slice %arg6[%add3A_78, %dma_start3A_85] : memref<16384x96xf32, #tpu.memory_space<hbm>> -> memref<128x32xf32, #tpu.memory_space<hbm>>
    tpu.enqueue_dma source(%arg12 : memref<128x32xf32, #tpu.memory_space<vmem>>) target(%dma_start3A_86 : memref<128x32xf32, #tpu.memory_space<hbm>>) target_semaphore(%arg14 : memref<!tpu.dma_semaphore, #tpu.memory_space<semaphore_mem>>)
    %dma_wait3A_87 = arith.constant 0 : i32
    %dma_wait3A_88 = tpu.memref_slice %arg6[%add3A_78, %dma_wait3A_87] : memref<16384x96xf32, #tpu.memory_space<hbm>> -> memref<128x64xf32, #tpu.memory_space<hbm>>
    %dma_wait3A_89 = arith.constant 0 : i32
    %dma_wait3A_90 = tpu.memref_slice %arg6[%add3A_78, %dma_wait3A_89] : memref<16384x96xf32, #tpu.memory_space<hbm>> -> memref<128x64xf32, #tpu.memory_space<hbm>>
    tpu.wait_dma2 semaphore(%arg14 : memref<!tpu.dma_semaphore, #tpu.memory_space<semaphore_mem>>) src(%arg10 : memref<128x64xf32, #tpu.memory_space<vmem>>) dst(%dma_wait3A_90 : memref<128x64xf32, #tpu.memory_space<hbm>>)
    %dma_wait3A_91 = arith.constant 64 : i32
    %dma_wait3A_92 = tpu.memref_slice %arg6[%add3A_78, %dma_wait3A_91] : memref<16384x96xf32, #tpu.memory_space<hbm>> -> memref<128x32xf32, #tpu.memory_space<hbm>>
    %dma_wait3A_93 = arith.constant 64 : i32
    %dma_wait3A_94 = tpu.memref_slice %arg6[%add3A_78, %dma_wait3A_93] : memref<16384x96xf32, #tpu.memory_space<hbm>> -> memref<128x32xf32, #tpu.memory_space<hbm>>
    tpu.wait_dma2 semaphore(%arg14 : memref<!tpu.dma_semaphore, #tpu.memory_space<semaphore_mem>>) src(%arg12 : memref<128x32xf32, #tpu.memory_space<vmem>>) dst(%dma_wait3A_94 : memref<128x32xf32, #tpu.memory_space<hbm>>)
    %dma_start3A_95 = arith.constant 384 : i32
    %dma_start3A_96 = tpu.memref_slice %arg7[%dma_start3A_95] : memref<512xi32, #tpu.memory_space<vmem>> -> memref<128xi32, #tpu.memory_space<vmem>>
    %dma_start3A_97 = arith.constant 0 : i32
    %dma_start3A_98 = arith.constant 0 : i32
    %dma_start3A_99 = tpu.memref_slice %arg4[%dma_start3A_97, %dma_start3A_98] : memref<1000000x64xf32, #tpu.memory_space<hbm>> -> memref<1000000x64xf32, #tpu.memory_space<hbm>>
    tpu.enqueue_indirect_dma source(%dma_start3A_99 : memref<1000000x64xf32, #tpu.memory_space<hbm>>) target(%arg10 : memref<128x64xf32, #tpu.memory_space<vmem>>) offsets(%dma_start3A_96 : memref<128xi32, #tpu.memory_space<vmem>>) semaphore(%arg13 : memref<!tpu.dma_semaphore, #tpu.memory_space<semaphore_mem>>)
    %dma_start3A_100 = arith.constant 384 : i32
    %dma_start3A_101 = tpu.memref_slice %arg8[%dma_start3A_100] : memref<512xi32, #tpu.memory_space<vmem>> -> memref<128xi32, #tpu.memory_space<vmem>>
    %dma_start3A_102 = arith.constant 0 : i32
    %dma_start3A_103 = arith.constant 0 : i32
    %dma_start3A_104 = tpu.memref_slice %arg5[%dma_start3A_102, %dma_start3A_103] : memref<100000x32xf32, #tpu.memory_space<hbm>> -> memref<100000x32xf32, #tpu.memory_space<hbm>>
    tpu.enqueue_indirect_dma source(%dma_start3A_104 : memref<100000x32xf32, #tpu.memory_space<hbm>>) target(%arg12 : memref<128x32xf32, #tpu.memory_space<vmem>>) offsets(%dma_start3A_101 : memref<128xi32, #tpu.memory_space<vmem>>) semaphore(%arg13 : memref<!tpu.dma_semaphore, #tpu.memory_space<semaphore_mem>>)
    %dma_wait3A_105 = arith.constant 256 : i32
    %dma_wait3A_106 = tpu.memref_slice %arg7[%dma_wait3A_105] : memref<512xi32, #tpu.memory_space<vmem>> -> memref<128xi32, #tpu.memory_space<vmem>>
    %dma_wait3A_107 = arith.constant 0 : i32
    %dma_wait3A_108 = arith.constant 0 : i32
    %dma_wait3A_109 = tpu.memref_slice %arg4[%dma_wait3A_107, %dma_wait3A_108] : memref<1000000x64xf32, #tpu.memory_space<hbm>> -> memref<1000000x64xf32, #tpu.memory_space<hbm>>
    tpu.wait_indirect_dma semaphore(%arg13 : memref<!tpu.dma_semaphore, #tpu.memory_space<semaphore_mem>>) src(%dma_wait3A_109 : memref<1000000x64xf32, #tpu.memory_space<hbm>>) dst(%arg9 : memref<128x64xf32, #tpu.memory_space<vmem>>)
    %dma_wait3A_110 = arith.constant 256 : i32
    %dma_wait3A_111 = tpu.memref_slice %arg8[%dma_wait3A_110] : memref<512xi32, #tpu.memory_space<vmem>> -> memref<128xi32, #tpu.memory_space<vmem>>
    %dma_wait3A_112 = arith.constant 0 : i32
    %dma_wait3A_113 = arith.constant 0 : i32
    %dma_wait3A_114 = tpu.memref_slice %arg5[%dma_wait3A_112, %dma_wait3A_113] : memref<100000x32xf32, #tpu.memory_space<hbm>> -> memref<100000x32xf32, #tpu.memory_space<hbm>>
    tpu.wait_indirect_dma semaphore(%arg13 : memref<!tpu.dma_semaphore, #tpu.memory_space<semaphore_mem>>) src(%dma_wait3A_114 : memref<100000x32xf32, #tpu.memory_space<hbm>>) dst(%arg11 : memref<128x32xf32, #tpu.memory_space<vmem>>)
    %add3A_115 = arith.constant 256 : i32
    %add3A_116 = arith.addi %mul3A_2, %add3A_115 : i32
    %dma_start3A_117 = arith.constant 0 : i32
    %dma_start3A_118 = tpu.memref_slice %arg6[%add3A_116, %dma_start3A_117] : memref<16384x96xf32, #tpu.memory_space<hbm>> -> memref<128x64xf32, #tpu.memory_space<hbm>>
    %dma_start3A_119 = arith.constant 0 : i32
    %dma_start3A_120 = tpu.memref_slice %arg6[%add3A_116, %dma_start3A_119] : memref<16384x96xf32, #tpu.memory_space<hbm>> -> memref<128x64xf32, #tpu.memory_space<hbm>>
    tpu.enqueue_dma source(%arg9 : memref<128x64xf32, #tpu.memory_space<vmem>>) target(%dma_start3A_120 : memref<128x64xf32, #tpu.memory_space<hbm>>) target_semaphore(%arg14 : memref<!tpu.dma_semaphore, #tpu.memory_space<semaphore_mem>>)
    %dma_start3A_121 = arith.constant 64 : i32
    %dma_start3A_122 = tpu.memref_slice %arg6[%add3A_116, %dma_start3A_121] : memref<16384x96xf32, #tpu.memory_space<hbm>> -> memref<128x32xf32, #tpu.memory_space<hbm>>
    %dma_start3A_123 = arith.constant 64 : i32
    %dma_start3A_124 = tpu.memref_slice %arg6[%add3A_116, %dma_start3A_123] : memref<16384x96xf32, #tpu.memory_space<hbm>> -> memref<128x32xf32, #tpu.memory_space<hbm>>
    tpu.enqueue_dma source(%arg11 : memref<128x32xf32, #tpu.memory_space<vmem>>) target(%dma_start3A_124 : memref<128x32xf32, #tpu.memory_space<hbm>>) target_semaphore(%arg14 : memref<!tpu.dma_semaphore, #tpu.memory_space<semaphore_mem>>)
    %dma_wait3A_125 = arith.constant 384 : i32
    %dma_wait3A_126 = tpu.memref_slice %arg7[%dma_wait3A_125] : memref<512xi32, #tpu.memory_space<vmem>> -> memref<128xi32, #tpu.memory_space<vmem>>
    %dma_wait3A_127 = arith.constant 0 : i32
    %dma_wait3A_128 = arith.constant 0 : i32
    %dma_wait3A_129 = tpu.memref_slice %arg4[%dma_wait3A_127, %dma_wait3A_128] : memref<1000000x64xf32, #tpu.memory_space<hbm>> -> memref<1000000x64xf32, #tpu.memory_space<hbm>>
    tpu.wait_indirect_dma semaphore(%arg13 : memref<!tpu.dma_semaphore, #tpu.memory_space<semaphore_mem>>) src(%dma_wait3A_129 : memref<1000000x64xf32, #tpu.memory_space<hbm>>) dst(%arg10 : memref<128x64xf32, #tpu.memory_space<vmem>>)
    %dma_wait3A_130 = arith.constant 384 : i32
    %dma_wait3A_131 = tpu.memref_slice %arg8[%dma_wait3A_130] : memref<512xi32, #tpu.memory_space<vmem>> -> memref<128xi32, #tpu.memory_space<vmem>>
    %dma_wait3A_132 = arith.constant 0 : i32
    %dma_wait3A_133 = arith.constant 0 : i32
    %dma_wait3A_134 = tpu.memref_slice %arg5[%dma_wait3A_132, %dma_wait3A_133] : memref<100000x32xf32, #tpu.memory_space<hbm>> -> memref<100000x32xf32, #tpu.memory_space<hbm>>
    tpu.wait_indirect_dma semaphore(%arg13 : memref<!tpu.dma_semaphore, #tpu.memory_space<semaphore_mem>>) src(%dma_wait3A_134 : memref<100000x32xf32, #tpu.memory_space<hbm>>) dst(%arg12 : memref<128x32xf32, #tpu.memory_space<vmem>>)
    %add3A_135 = arith.constant 384 : i32
    %add3A_136 = arith.addi %mul3A_2, %add3A_135 : i32
    %dma_start3A_137 = arith.constant 0 : i32
    %dma_start3A_138 = tpu.memref_slice %arg6[%add3A_136, %dma_start3A_137] : memref<16384x96xf32, #tpu.memory_space<hbm>> -> memref<128x64xf32, #tpu.memory_space<hbm>>
    %dma_start3A_139 = arith.constant 0 : i32
    %dma_start3A_140 = tpu.memref_slice %arg6[%add3A_136, %dma_start3A_139] : memref<16384x96xf32, #tpu.memory_space<hbm>> -> memref<128x64xf32, #tpu.memory_space<hbm>>
    tpu.enqueue_dma source(%arg10 : memref<128x64xf32, #tpu.memory_space<vmem>>) target(%dma_start3A_140 : memref<128x64xf32, #tpu.memory_space<hbm>>) target_semaphore(%arg14 : memref<!tpu.dma_semaphore, #tpu.memory_space<semaphore_mem>>)
    %dma_start3A_141 = arith.constant 64 : i32
    %dma_start3A_142 = tpu.memref_slice %arg6[%add3A_136, %dma_start3A_141] : memref<16384x96xf32, #tpu.memory_space<hbm>> -> memref<128x32xf32, #tpu.memory_space<hbm>>
    %dma_start3A_143 = arith.constant 64 : i32
    %dma_start3A_144 = tpu.memref_slice %arg6[%add3A_136, %dma_start3A_143] : memref<16384x96xf32, #tpu.memory_space<hbm>> -> memref<128x32xf32, #tpu.memory_space<hbm>>
    tpu.enqueue_dma source(%arg12 : memref<128x32xf32, #tpu.memory_space<vmem>>) target(%dma_start3A_144 : memref<128x32xf32, #tpu.memory_space<hbm>>) target_semaphore(%arg14 : memref<!tpu.dma_semaphore, #tpu.memory_space<semaphore_mem>>)
    %dma_wait3A_145 = arith.constant 0 : i32
    %dma_wait3A_146 = tpu.memref_slice %arg6[%add3A_116, %dma_wait3A_145] : memref<16384x96xf32, #tpu.memory_space<hbm>> -> memref<128x64xf32, #tpu.memory_space<hbm>>
    %dma_wait3A_147 = arith.constant 0 : i32
    %dma_wait3A_148 = tpu.memref_slice %arg6[%add3A_116, %dma_wait3A_147] : memref<16384x96xf32, #tpu.memory_space<hbm>> -> memref<128x64xf32, #tpu.memory_space<hbm>>
    tpu.wait_dma2 semaphore(%arg14 : memref<!tpu.dma_semaphore, #tpu.memory_space<semaphore_mem>>) src(%arg9 : memref<128x64xf32, #tpu.memory_space<vmem>>) dst(%dma_wait3A_148 : memref<128x64xf32, #tpu.memory_space<hbm>>)
    %dma_wait3A_149 = arith.constant 64 : i32
    %dma_wait3A_150 = tpu.memref_slice %arg6[%add3A_116, %dma_wait3A_149] : memref<16384x96xf32, #tpu.memory_space<hbm>> -> memref<128x32xf32, #tpu.memory_space<hbm>>
    %dma_wait3A_151 = arith.constant 64 : i32
    %dma_wait3A_152 = tpu.memref_slice %arg6[%add3A_116, %dma_wait3A_151] : memref<16384x96xf32, #tpu.memory_space<hbm>> -> memref<128x32xf32, #tpu.memory_space<hbm>>
    tpu.wait_dma2 semaphore(%arg14 : memref<!tpu.dma_semaphore, #tpu.memory_space<semaphore_mem>>) src(%arg11 : memref<128x32xf32, #tpu.memory_space<vmem>>) dst(%dma_wait3A_152 : memref<128x32xf32, #tpu.memory_space<hbm>>)
    %dma_wait3A_153 = arith.constant 0 : i32
    %dma_wait3A_154 = tpu.memref_slice %arg6[%add3A_136, %dma_wait3A_153] : memref<16384x96xf32, #tpu.memory_space<hbm>> -> memref<128x64xf32, #tpu.memory_space<hbm>>
    %dma_wait3A_155 = arith.constant 0 : i32
    %dma_wait3A_156 = tpu.memref_slice %arg6[%add3A_136, %dma_wait3A_155] : memref<16384x96xf32, #tpu.memory_space<hbm>> -> memref<128x64xf32, #tpu.memory_space<hbm>>
    tpu.wait_dma2 semaphore(%arg14 : memref<!tpu.dma_semaphore, #tpu.memory_space<semaphore_mem>>) src(%arg10 : memref<128x64xf32, #tpu.memory_space<vmem>>) dst(%dma_wait3A_156 : memref<128x64xf32, #tpu.memory_space<hbm>>)
    %dma_wait3A_157 = arith.constant 64 : i32
    %dma_wait3A_158 = tpu.memref_slice %arg6[%add3A_136, %dma_wait3A_157] : memref<16384x96xf32, #tpu.memory_space<hbm>> -> memref<128x32xf32, #tpu.memory_space<hbm>>
    %dma_wait3A_159 = arith.constant 64 : i32
    %dma_wait3A_160 = tpu.memref_slice %arg6[%add3A_136, %dma_wait3A_159] : memref<16384x96xf32, #tpu.memory_space<hbm>> -> memref<128x32xf32, #tpu.memory_space<hbm>>
    tpu.wait_dma2 semaphore(%arg14 : memref<!tpu.dma_semaphore, #tpu.memory_space<semaphore_mem>>) src(%arg12 : memref<128x32xf32, #tpu.memory_space<vmem>>) dst(%dma_wait3A_160 : memref<128x32xf32, #tpu.memory_space<hbm>>)
    return
  }
}

</mosaic_0001>

<sc_bundles>
// kernel: kernel.3.cloned.1.call-start
scs
__scs_entry_jumppad:
0x0: {  	(pc) =	sbr.rel $0x88, $3  }
0x1: {  	(tag) =	ssettag $0x0;
	lr =	simm.s32 $0x1  }
0x2: {  	[smem:$0x3F9D] =	sst lr;
	_ =	strace $0xD0000000  }
0x3: {  	_ = 	snop  }
0x4: {  	_ = 	snop  }
0x5: {  	_ = 	snop  }
0x6: {  	_ = 	snop  }
0x7: {  	_ = 	snop  }
__scs_overlays_trampoline_lowered:
0x8: {  	[smem:$0x3FAC] =	sst s0  }
0x9: {  	[smem:$0x3FAD] =	sst s1  }
0xa: {  	[smem:$0x3FAE] =	sst s2  }
0xb: {  	[smem:$0x3FAF] =	sst s3  }
0xc: {  	[smem:$0x3FB0] =	sst s4  }
0xd: {  	[smem:$0x3FB1] =	sst s5  }
0xe: {  	[smem:$0x3FB2] =	sst s6  }
0xf: {  	[smem:$0x3FB3] =	sst s7  }
0x10: {  	[smem:$0x3FB4] =	sst s8  }
0x11: {  	[smem:$0x3FB5] =	sst s9;
	s0 =	simm.s32 @!p0 $0x0  }
0x12: {  	s1 =	sld [smem:$0x3F9B];
	s0 =	simm.s32 @p0 $0x1  }
0x13: {  	[smem:$0x3FB6] =	sst s0;
	s0 =	simm.s32 @!p1 $0x0  }
0x14: {  	s2 =	sld [smem:$0x3F9A];
	s0 =	simm.s32 @p1 $0x1  }
0x15: {  	[smem:$0x3FB7] =	sst s0;
	s0 =	simm.s32 @!p2 $0x0  }
0x16: {  	s3 =	sld [smem:$0x3FDB];
	s0 =	simm.s32 @p2 $0x1  }
0x17: {  	s4 =	simm.s32 $0x1BF5;
	[smem:$0x3FB9] =	sst s0  }
0x18: {  	s0 =	sld [smem:$0x3F9C];
	_ =	swait.ge [sflag:s4], $0x0  }
0x19: {  	s7 =	sld [smem:$0x3F9D]  }
0x1a: {  	s8 =	sadd.s32 $0xFFFFE003, lr  }
0x1b: {  	s9 =	sadd.s32 $0xFFFFFEF7, lr;
	s5 =	simm.s32 $0xFFFFFFFF;
	p2 =	slt.u32 s8, $0xFFFFF086  }
0x1c: {  	p1 =	slt.u32 s9, $0xF7A;
	s5 =	simm.s32 @!p2 $0x0  }
0x1d: {  	s5 =	simm.s32 @p1 $0x1;
	p0 =	seq.s32 s7, s2  }
0x1e: {  	s7 =	smul.u32 @!p0 $0xF7A, s2;
	p2 =	seq.s32 @!p0 s5, $0x0  }
0x1f: {  	s9 =	smul.u32 $0xF7A, s1;
	s8 =	simm.s32 @!p0 $0x1BF5;
	p2 =	por !p2, p0  }
0x20: {  	[sflag:s8] =	ssyncset.s32 @!p0 $0xFFFFF086;
	s6 =	sadd.s32 @!p0 s3, s7;
	s7 =	simm.s32 @!p0 $0x108  }
0x21: {  	s3 =	sadd.s32 s3, s9;
	s6 =	sadd.s32 @!p0 $0x88, s6;
	s7 =	simm.s32 @p2 $0x1082  }
0x22: {  	[simem:s7], [sflag:s8] =	dma.local @!p0 [hbm:s6], $0xF7A  }
0x23: {  	s9 =	sor.u32 $0xD0000000, s2;
	s6 =	simm.s32 $0x108;
	_ =	swait.ge @!p0 [sflag:s8], $0x0  }
0x24: {  	s3 =	sadd.s32 $0x88, s3;
	s6 =	simm.s32 @!p1 $0x1082;
	[sflag:s4] =	ssyncset.s32 $0xFFFFF086  }
0x25: {  	[simem:s6], [sflag:s4] =	dma.local [hbm:s3], $0xF7A  }
0x26: {  	[smem:$0x3F9D] =	sst s1;
	(tag) =	ssettag s2;
	_ =	strace s9  }
0x27: {  	s1 =	sld [smem:$0x3FAD]  }
0x28: {  	s2 =	sld [smem:$0x3FAE]  }
0x29: {  	s4 =	sld [smem:$0x3FB0]  }
0x2a: {  	p0 =	seq.s32 s5, $0x0;
	s5 =	sld [smem:$0x3FB1]  }
0x2b: {  	s6 =	sld [smem:$0x3FB2]  }
0x2c: {  	s7 =	sld [smem:$0x3FB3]  }
0x2d: {  	s3 =	simm.s32 $0x108;
	s8 =	sld [smem:$0x3FB4]  }
0x2e: {  	s3 =	simm.s32 @!p0 $0x1082;
	s9 =	sld [smem:$0x3FB5]  }
0x2f: {  	lr =	sadd.s32 s0, s3;
	s0 =	sld [smem:$0x3FAC]  }
0x30: {  	s3 =	sld [smem:$0x3FAF]  }
0x31: {  	[smem:$0x3FB8] =	sst s10  }
0x32: {  	s10 =	sld [smem:$0x3FB6];
	_ =	sdelay $0x3  }
0x33: {  	p0 =	seq.s32 s10, $0x1;
	s10 =	sld [smem:$0x3FB8];
	_ =	sdelay $0x3  }
0x34: {  	[smem:$0x3FB8] =	sst s10  }
0x35: {  	s10 =	sld [smem:$0x3FB7];
	_ =	sdelay $0x3  }
0x36: {  	p1 =	seq.s32 s10, $0x1;
	s10 =	sld [smem:$0x3FB8];
	_ =	sdelay $0x3  }
0x37: {  	[smem:$0x3FB8] =	sst s10  }
0x38: {  	s10 =	sld [smem:$0x3FB9]  }
0x39: {  	_ = 	snop;
	(pc) =	sbr.ind lr, $3  }
0x3a: {  	_ = 	snop  }
0x3b: {  	_ = 	snop  }
0x3c: {  	p2 =	seq.s32 s10, $0x1;
	s10 =	sld [smem:$0x3FB8]  }
0x3d: {  	_ =	shalt  }
0x3e: {  	_ =	shalt  }
0x3f: {  	_ =	shalt  }
0x40: {  	_ =	shalt  }
0x41: {  	_ =	shalt  }
0x42: {  	_ =	shalt  }
0x43: {  	_ =	shalt  }
0x44: {  	_ =	shalt  }
0x45: {  	_ =	shalt  }
0x46: {  	_ =	shalt  }
0x47: {  	_ =	shalt  }
0x48: {  	_ =	shalt  }
0x49: {  	_ =	shalt  }
0x4a: {  	_ =	shalt  }
0x4b: {  	_ =	shalt  }
0x4c: {  	_ =	shalt  }
0x4d: {  	_ =	shalt  }
0x4e: {  	_ =	shalt  }
0x4f: {  	_ =	shalt  }
0x50: {  	_ =	shalt  }
0x51: {  	_ =	shalt  }
0x52: {  	_ =	shalt  }
0x53: {  	_ =	shalt  }
0x54: {  	_ =	shalt  }
0x55: {  	_ =	shalt  }
0x56: {  	_ =	shalt  }
0x57: {  	_ =	shalt  }
0x58: {  	_ =	shalt  }
0x59: {  	_ =	shalt  }
0x5a: {  	_ =	shalt  }
0x5b: {  	_ =	shalt  }
0x5c: {  	_ =	shalt  }
0x5d: {  	_ =	shalt  }
0x5e: {  	_ =	shalt  }
0x5f: {  	_ =	shalt  }
0x60: {  	_ =	shalt  }
0x61: {  	_ =	shalt  }
0x62: {  	_ =	shalt  }
0x63: {  	_ =	shalt  }
0x64: {  	_ =	shalt  }
0x65: {  	_ =	shalt  }
0x66: {  	_ =	shalt  }
0x67: {  	_ =	shalt  }
0x68: {  	_ =	shalt  }
0x69: {  	_ =	shalt  }
0x6a: {  	_ =	shalt  }
0x6b: {  	_ =	shalt  }
0x6c: {  	_ =	shalt  }
0x6d: {  	_ =	shalt  }
0x6e: {  	_ =	shalt  }
0x6f: {  	_ =	shalt  }
0x70: {  	_ =	shalt  }
0x71: {  	_ =	shalt  }
0x72: {  	_ =	shalt  }
0x73: {  	_ =	shalt  }
0x74: {  	_ =	shalt  }
0x75: {  	_ =	shalt  }
0x76: {  	_ =	shalt  }
0x77: {  	_ =	shalt  }
0x78: {  	_ =	shalt  }
0x79: {  	_ =	shalt  }
0x7a: {  	_ =	shalt  }
0x7b: {  	_ =	shalt  }
0x7c: {  	_ =	shalt  }
0x7d: {  	_ =	shalt  }
0x7e: {  	_ =	shalt  }
0x7f: {  	_ =	shalt  }
0x80: {  	_ =	shalt  }
0x81: {  	_ =	shalt  }
0x82: {  	_ =	shalt  }
0x83: {  	_ =	shalt  }
0x84: {  	_ =	shalt  }
0x85: {  	_ =	shalt  }
0x86: {  	_ =	shalt  }
0x87: {  	_ =	shalt  }
.Lfunc_end0:
.L_simem_size_0:
called_computation_lowered:
.L_overlay_start_0:
0x88: {  	s2 =	sld [smem:$0x3FD9]  }
0x89: {  	s3 =	sld [smem:$0x3FFE];
	_ =	sdelay $0x1  }
0x8a: {  	s1 =	srdreg.scid  }
0x8b: {  	s0 =	sand.u32 $0x1, s1  }
0x8c: {  	s17 =	sshll.u32 s0, $0xA;
	s2 =	sadd.s32 s3, s2  }
0x8d: {  	s2 =	sadd.s32 s2, s17  }
0x8e: {  	[smem:$0x3FC4] =	sst s2  }
0x8f: {  	_ = 	snop  }
0x90: {  	s2 =	sld [smem:$0x3FC9]  }
0x91: {  	s18 =	sld [smem:$0x3FC8]  }
0x92: {  	s4 =	sld [smem:$0x3FD0];
	(tm) =	ssettm $0x1  }
0x93: {  	s5 =	sld [smem:$0x3FFB];
	_ =	sdelay $0x3  }
0x94: {  	_ =	strace s5  }
0x95: {  	s5 =	sld [smem:$0x3FFC];
	_ =	sdelay $0x3  }
0x96: {  	_ =	strace s5  }
0x97: {  	s5 =	sld [smem:$0x3FFD];
	_ =	sdelay $0x3  }
0x98: {  	_ =	strace s5  }
0x99: {  	_ =	strace $0x8FFFFFFF  }
0x9a: {  	s19 =	sld [smem:$0x3FDB];
	_ =	sdelay $0x1  }
0x9b: {  	s6 =	simm.s32 $_scs_section_size  }
0x9c: {  	s7 =	simm.s32 $_size__tile_overlayer_lowered;
	s8 =	simm.s32 $_tile_overlayer_lowered  }
0x9d: {  	s22 =	simm.s32 $0x1BFF;
	s21 =	sshll.u32 s8, $0x1;
	s5 =	sadd.s32 s6, s19  }
0x9e: {  	s9 =	simm.s32 $0x0;
	s20 =	sshll.u32 s7, $0x1;
	s7 =	sadd.s32 s21, s5  }
0x9f: {  	[timem:s9], [sflag:s22] =	dma.local [hbm:s7], s20  }
0xa0: {  	_ =	swait.ge [sflag:s22], s20  }
0xa1: {  	s6 =	ssub.s32 $0x0, s20;
	[sflag:s22] =	ssyncset.done $0x0  }
0xa2: {  	[sflag:s22] =	ssyncadd.s32 s6;
	_ =	sdelay $0x1  }
0xa3: {  	s23 =	simm.s32 $0x1B8B  }
0xa4: {  	_ =	swait.ge [sflag:s23], $0x1  }
0xa5: {  	[sflag:s23] =	ssyncset.done $0x0  }
0xa6: {  	s25 =	simm.s32 $0x1B8E;
	s24 =	sld [smem:$0x3FFE];
	[sflag:s23] =	ssyncadd.s32 $0xFFFFFFFF  }
0xa7: {  	s26 =	simm.s32 $execute0_lowered;
	[smem:$0x3FD2] =	sst s25  }
0xa8: {  	s7 =	sshll.u32 s26, $0x1;
	_ =	strace $0x80000046;
	[dreg:$0x1] =	wrdreg $0xFFFFFFFF  }
0xa9: {  	s28 =	simm.s32 $_size_execute0_lowered;
	s5 =	sadd.s32 s5, s7;
	[dreg:$0x0] =	wrdreg $0x0  }
0xaa: {  	s7 =	sshll.u32 s28, $0x1;
	[dreg:$0x2] =	wrdreg s5  }
0xab: {  	[dreg:$0x3] =	wrdreg s7  }
0xac: {  	[dreg:$0x4] =	wrdreg $0xC0  }
0xad: {  	_ =	task [dreg:s9], $0x5FFFF  }
0xae: {  	[dreg:$0x1] =	wrdreg $0xFFFFFFFF  }
0xaf: {  	[dreg:$0x0] =	wrdreg $0x60  }
0xb0: {  	[dreg:$0x2] =	wrdreg s2  }
0xb1: {  	[dreg:$0x3] =	wrdreg s18  }
0xb2: {  	[dreg:$0x4] =	wrdreg s24  }
0xb3: {  	[dreg:$0x5] =	wrdreg s4  }
0xb4: {  	[dreg:$0x6] =	wrdreg $0x9  }
0xb5: {  	_ =	task.clear_ibuf [dreg:s9], $0x7FFFF;
	_ =	strace $0x90000046  }
0xb6: {  	s29 =	simm.s32 $0x9;
	_ =	strace $0x80000048  }
0xb7: {  	_ =	swait.ge [sflag:s29], $0x1  }
0xb8: {  	[sflag:s29] =	ssyncadd.s32 $0xFFFFFFFF  }
0xb9: {  	_ =	strace $0x90000048  }
0xba: {  	_ =	sfence  }
0xbb: {  	s30 =	sld [smem:$0x0];
	_ =	sdelay $0x2  }
0xbc: {  	s31 =	sshll.u32 s1, $0xD;
	s1 =	sshrl.u32 s1, $0x2  }
0xbd: {  	s3 =	sand.u32 $0x4000, s31;
	s1 =	sadd.s32 s1, s30  }
0xbe: {  	s0 =	sor.u32 s3, s0;
	s1 =	sshll.u32 s1, $0x11  }
0xbf: {  	s0 =	sor.u32 s1, s0  }
0xc0: {  	s0 =	sadd.s32 $0x8F2B, s0  }
0xc1: {  	[sflag:s0] =	ssyncadd.remote.s32 $0x1  }
0xc2: {  	_ =	sfence.sel $0xFFFF  }
0xc3: {  	[dreg:$0x0] =	wrdreg $0xFFFFFFFF;
	(pc) =	sbr.abs _section_cstart, $3  }
0xc4: {  	[dreg:$0x1] =	wrdreg $0xFFFFFFFF  }
0xc5: {  	_ =	task.clear_ibuf [dreg:s9], $0x2FFFF;
	_ =	strace $0x9FFFFFFF  }
0xc6: {  	(tm) =	ssettm $0x7FFFFFFF  }
0xc7: {  	_ =	shalt  }
tec
execute0_lowered:
.L_overlay_start_1:
0x0: {  	(tag) =	ssettag $0x1  }
0x1: {  	s0 =	rddreg [dreg:$0x0]  }
0x2: {  	s4 =	rddreg [dreg:$0x1]  }
0x3: {  	s3 =	rddreg [dreg:$0x2]  }
0x4: {  	s5 =	rddreg [dreg:$0x3]  }
0x5: {  	s2 =	srdreg.scid;
	s1 =	stileid.u32  }
0x6: {  	s20 =	simm.s32 $0x0;
	s29 =	simm.s32 $0x200;
	s19 =	simm.s32 $0x80  }
0x7: {  	s15 =	simm.s32 $0x400;
	s16 =	simm.s32 $0x4400;
	s10 =	simm.s32 $0x2400  }
0x8: {  	s30 =	simm.s32 $0x280;
	s11 =	simm.s32 $0x5400;
	s12 =	simm.s32 $0x40  }
0x9: {  	s13 =	simm.s32 $0x60;
	s14 =	simm.s32 $0x20;
	p0 =	por $0x0, $0x0  }
0xa: {  	s23 =	simm.s32 $0x180;
	s24 =	simm.s32 $0x380;
	s6 =	sand.u32 $0x1, s2  }
0xb: {  	s25 =	sshll.u32 s1, $0xA;
	[smem:$0x7FF] =	sst s20;
	s2 =	sadd.s32 $0xF42A00, s3  }
0xc: {  	s3 =	sadd.s32 $0x187000, s3;
	s7 =	sshll.u32 s6, $0x9;
	s6 =	ssub.s32 $0x2, s6  }
0xd: {  	_ =	strace $0x80000047;
	s7 =	sor.u32 s7, s25;
	s9 =	sshrl.u32 s6, $0x1  }
0xe: {  	s8 =	smul.u32 $0x60, s7;
	s7 =	sshrl.u32 s7, $0x3;
	s6 =	ssub.s32 s6, s9  }
0xf: {  	s25 =	simm.s32 $0x100;
	s0 =	sadd.s32 s0, s7;
	s26 =	smax.u32 s6, $0x1  }
0x10: {  	s28 =	sadd.s32 s4, s7;
	s7 =	simm.s32 $0x1;
	p1 =	sne.s32 s26, $0x1  }
.Ltmp0:
0x11: {  	s6 =	simm.s32 $0x2;
	s8 =	sshrl.u32 s8, $0x3;
	(pc) =	sbr.rel @!p1 .LBB2_3-.Ltmp0, $4  }
0x12: {  	[dreg:$0x5] =	wrdreg s0;
	s31 =	sadd.s32 $0xFFFFFFFF, s26;
	s21 =	sadd.s32 s5, s8  }
0x13: {  	s26 =	simm.s32 $0x300;
	s0 =	rddreg [dreg:$0x5];
	s22 =	sadd.s32 $0x8, s21  }
0x14: {  	s17 =	sadd.s32 $0x600, s21;
	s18 =	sadd.s32 $0x608, s21;
	s8 =	sadd.s32 $0xC00, s21  }
0x15: {  	s9 =	sadd.s32 $0xC08, s21;
	s4 =	sadd.s32 $0x1200, s21;
	s5 =	sadd.s32 $0x1208, s21  }
0x16: {  	[tilespmem:s20], [sflag:$0x1] =	stream.linear.gather [hbm4b:s0+s20], $0x200, $0x38;
	[tilespmem:$0x6400] =	vst v63  }
0x17: {  	_ = 	snop  }
0x18: {  	[tilespmem:s29], [sflag:$0x1] =	stream.linear.gather [hbm4b:s28+s20], $0x200, $0x38;
	[tilespmem:$0x6400] =	vst v63  }
0x19: {  	_ =	swait.ge [sflag:s7], $0x200  }
0x1a: {  	[sflag:s7] =	ssyncset.done $0x0  }
0x1b: {  	[sflag:s7] =	ssyncadd.s32 $0xFFFFFE00  }
0x1c: {  	_ =	swait.ge [sflag:s7], $0x200  }
0x1d: {  	[sflag:s7] =	ssyncset.done $0x0  }
0x1e: {  	[sflag:s7] =	ssyncadd.s32 $0xFFFFFE00  }
0x1f: {  	[tilespmem:s15], [sflag:$0x1] =	stream.indirect.gather [hbm4b:s2+s19], $0x40, s20, s19, $0xb8;
	[tilespmem:$0x6400] =	vst v63  }
0x20: {  	_ = 	snop  }
0x21: {  	[tilespmem:s16], [sflag:$0x1] =	stream.indirect.gather [hbm4b:s3+s19], $0x20, s29, s19, $0xb8;
	[tilespmem:$0x6400] =	vst v63  }
0x22: {  	_ = 	snop  }
0x23: {  	[tilespmem:s10], [sflag:$0x1] =	stream.indirect.gather [hbm4b:s2+s19], $0x40, s19, s19, $0xb8;
	[tilespmem:$0x6400] =	vst v63  }
0x24: {  	_ = 	snop  }
0x25: {  	[tilespmem:s11], [sflag:$0x1] =	stream.indirect.gather [hbm4b:s3+s19], $0x20, s30, s19, $0xb8;
	[tilespmem:$0x6400] =	vst v63  }
0x26: {  	_ =	swait.ge [sflag:s7], $0x2000  }
0x27: {  	[sflag:s7] =	ssyncset.done $0x0  }
0x28: {  	[sflag:s7] =	ssyncadd.s32 $0xFFFFE000  }
0x29: {  	_ =	swait.ge [sflag:s7], $0x1000  }
0x2a: {  	[sflag:s7] =	ssyncset.done $0x0  }
0x2b: {  	[sflag:s7] =	ssyncadd.s32 $0xFFFFF000  }
0x2c: {  	[hbm4b:s21+s12] =	stream.strided.scatter [tilespmem:s15], [sflag:$0x2], $0x2000, s13, s12, $0x38;
	[tilespmem:$0x6400] =	vst v63  }
0x2d: {  	_ = 	snop  }
0x2e: {  	[hbm4b:s22+s14] =	stream.strided.scatter [tilespmem:s16], [sflag:$0x2], $0x1000, s13, s14, $0x38;
	[tilespmem:$0x6400] =	vst v63  }
0x2f: {  	_ =	swait.ge [sflag:s6], $0x2000  }
0x30: {  	[sflag:s6] =	ssyncset.done $0x0  }
0x31: {  	[sflag:s6] =	ssyncadd.s32 $0xFFFFE000  }
0x32: {  	_ =	swait.ge [sflag:s6], $0x1000  }
0x33: {  	[sflag:s6] =	ssyncset.done $0x0  }
0x34: {  	[sflag:s6] =	ssyncadd.s32 $0xFFFFF000  }
0x35: {  	[tilespmem:s15], [sflag:$0x1] =	stream.indirect.gather [hbm4b:s2+s19], $0x40, s25, s19, $0xb8;
	[tilespmem:$0x6400] =	vst v63  }
0x36: {  	_ = 	snop  }
0x37: {  	[tilespmem:s16], [sflag:$0x1] =	stream.indirect.gather [hbm4b:s3+s19], $0x20, s26, s19, $0xb8;
	[tilespmem:$0x6400] =	vst v63  }
0x38: {  	_ =	swait.ge [sflag:s7], $0x2000  }
0x39: {  	[sflag:s7] =	ssyncset.done $0x0  }
0x3a: {  	[sflag:s7] =	ssyncadd.s32 $0xFFFFE000  }
0x3b: {  	_ =	swait.ge [sflag:s7], $0x1000  }
0x3c: {  	[sflag:s7] =	ssyncset.done $0x0  }
0x3d: {  	[sflag:s7] =	ssyncadd.s32 $0xFFFFF000  }
0x3e: {  	[hbm4b:s17+s12] =	stream.strided.scatter [tilespmem:s10], [sflag:$0x2], $0x2000, s13, s12, $0x38;
	[tilespmem:$0x6400] =	vst v63  }
0x3f: {  	_ = 	snop  }
0x40: {  	[hbm4b:s18+s14] =	stream.strided.scatter [tilespmem:s11], [sflag:$0x2], $0x1000, s13, s14, $0x38;
	[tilespmem:$0x6400] =	vst v63  }
0x41: {  	_ =	swait.ge [sflag:s6], $0x2000  }
0x42: {  	[sflag:s6] =	ssyncset.done $0x0  }
0x43: {  	[sflag:s6] =	ssyncadd.s32 $0xFFFFE000  }
0x44: {  	_ =	swait.ge [sflag:s6], $0x1000  }
0x45: {  	[sflag:s6] =	ssyncset.done $0x0  }
0x46: {  	[sflag:s6] =	ssyncadd.s32 $0xFFFFF000  }
0x47: {  	[tilespmem:s10], [sflag:$0x1] =	stream.indirect.gather [hbm4b:s2+s19], $0x40, s23, s19, $0xb8;
	[tilespmem:$0x6400] =	vst v63  }
0x48: {  	_ = 	snop  }
0x49: {  	[tilespmem:s11], [sflag:$0x1] =	stream.indirect.gather [hbm4b:s3+s19], $0x20, s24, s19, $0xb8;
	[tilespmem:$0x6400] =	vst v63  }
0x4a: {  	_ =	swait.ge [sflag:s7], $0x2000  }
0x4b: {  	[sflag:s7] =	ssyncset.done $0x0  }
0x4c: {  	[sflag:s7] =	ssyncadd.s32 $0xFFFFE000  }
0x4d: {  	_ =	swait.ge [sflag:s7], $0x1000  }
0x4e: {  	[sflag:s7] =	ssyncset.done $0x0  }
0x4f: {  	[sflag:s7] =	ssyncadd.s32 $0xFFFFF000  }
0x50: {  	[hbm4b:s8+s12] =	stream.strided.scatter [tilespmem:s15], [sflag:$0x2], $0x2000, s13, s12, $0x38;
	[tilespmem:$0x6400] =	vst v63  }
0x51: {  	_ = 	snop  }
0x52: {  	[hbm4b:s9+s14] =	stream.strided.scatter [tilespmem:s16], [sflag:$0x2], $0x1000, s13, s14, $0x38;
	[tilespmem:$0x6400] =	vst v63  }
0x53: {  	_ =	swait.ge [sflag:s7], $0x2000  }
0x54: {  	[sflag:s7] =	ssyncset.done $0x0  }
0x55: {  	[sflag:s7] =	ssyncadd.s32 $0xFFFFE000  }
0x56: {  	_ =	swait.ge [sflag:s7], $0x1000  }
0x57: {  	[sflag:s7] =	ssyncset.done $0x0  }
0x58: {  	[sflag:s7] =	ssyncadd.s32 $0xFFFFF000  }
0x59: {  	[hbm4b:s4+s12] =	stream.strided.scatter [tilespmem:s10], [sflag:$0x2], $0x2000, s13, s12, $0x38;
	[tilespmem:$0x6400] =	vst v63  }
0x5a: {  	_ = 	snop  }
0x5b: {  	[hbm4b:s5+s14] =	stream.strided.scatter [tilespmem:s11], [sflag:$0x2], $0x1000, s13, s14, $0x38;
	[tilespmem:$0x6400] =	vst v63  }
0x5c: {  	_ =	swait.ge [sflag:s6], $0x2000  }
0x5d: {  	[sflag:s6] =	ssyncset.done $0x0  }
0x5e: {  	[sflag:s6] =	ssyncadd.s32 $0xFFFFE000  }
0x5f: {  	_ =	swait.ge [sflag:s6], $0x1000  }
0x60: {  	[sflag:s6] =	ssyncset.done $0x0  }
0x61: {  	p1 =	sne.s32 s31, $0x1;
	[sflag:s6] =	ssyncadd.s32 $0xFFFFF000  }
.Ltmp1:
0x62: {  	_ =	swait.ge [sflag:s6], $0x2000;
	(pc) =	sbr.rel @!p1 .LBB2_3-.Ltmp1, $4  }
0x63: {  	[sflag:s6] =	ssyncset.done $0x0  }
0x64: {  	[sflag:s6] =	ssyncadd.s32 $0xFFFFE000  }
0x65: {  	s31 =	sadd.s32 $0xFFFFFFFF, s31;
	_ =	swait.ge [sflag:s6], $0x1000  }
0x66: {  	p0 =	por $0x1, $0x1;
	s0 =	rddreg [dreg:$0x5];
	[sflag:s6] =	ssyncset.done $0x0  }
.LBB2_2:
0x67: {  	[sflag:s6] =	ssyncadd.s32 $0xFFFFF000  }
0x68: {  	[tilespmem:s20], [sflag:$0x1] =	stream.linear.gather [hbm4b:s0+s20], $0x200, $0x38;
	[tilespmem:$0x6400] =	vst v63  }
0x69: {  	_ = 	snop  }
0x6a: {  	[tilespmem:s29], [sflag:$0x1] =	stream.linear.gather [hbm4b:s28+s20], $0x200, $0x38;
	[tilespmem:$0x6400] =	vst v63  }
0x6b: {  	_ =	swait.ge [sflag:s7], $0x200  }
0x6c: {  	[sflag:s7] =	ssyncset.done $0x0  }
0x6d: {  	[sflag:s7] =	ssyncadd.s32 $0xFFFFFE00  }
0x6e: {  	_ =	swait.ge [sflag:s7], $0x200  }
0x6f: {  	[sflag:s7] =	ssyncset.done $0x0  }
0x70: {  	[sflag:s7] =	ssyncadd.s32 $0xFFFFFE00  }
0x71: {  	[tilespmem:s15], [sflag:$0x1] =	stream.indirect.gather [hbm4b:s2+s19], $0x40, s20, s19, $0xb8;
	[tilespmem:$0x6400] =	vst v63  }
0x72: {  	_ = 	snop  }
0x73: {  	[tilespmem:s16], [sflag:$0x1] =	stream.indirect.gather [hbm4b:s3+s19], $0x20, s29, s19, $0xb8;
	[tilespmem:$0x6400] =	vst v63  }
0x74: {  	_ = 	snop  }
0x75: {  	[tilespmem:s10], [sflag:$0x1] =	stream.indirect.gather [hbm4b:s2+s19], $0x40, s19, s19, $0xb8;
	[tilespmem:$0x6400] =	vst v63  }
0x76: {  	_ = 	snop  }
0x77: {  	[tilespmem:s11], [sflag:$0x1] =	stream.indirect.gather [hbm4b:s3+s19], $0x20, s30, s19, $0xb8;
	[tilespmem:$0x6400] =	vst v63  }
0x78: {  	_ =	swait.ge [sflag:s7], $0x2000  }
0x79: {  	[sflag:s7] =	ssyncset.done $0x0  }
0x7a: {  	[sflag:s7] =	ssyncadd.s32 $0xFFFFE000  }
0x7b: {  	_ =	swait.ge [sflag:s7], $0x1000  }
0x7c: {  	[sflag:s7] =	ssyncset.done $0x0  }
0x7d: {  	[sflag:s7] =	ssyncadd.s32 $0xFFFFF000  }
0x7e: {  	[hbm4b:s21+s12] =	stream.strided.scatter [tilespmem:s15], [sflag:$0x2], $0x2000, s13, s12, $0x38;
	[tilespmem:$0x6400] =	vst v63  }
0x7f: {  	_ = 	snop  }
0x80: {  	[hbm4b:s22+s14] =	stream.strided.scatter [tilespmem:s16], [sflag:$0x2], $0x1000, s13, s14, $0x38;
	[tilespmem:$0x6400] =	vst v63  }
0x81: {  	_ =	swait.ge [sflag:s6], $0x2000  }
0x82: {  	[sflag:s6] =	ssyncset.done $0x0  }
0x83: {  	[sflag:s6] =	ssyncadd.s32 $0xFFFFE000  }
0x84: {  	_ =	swait.ge [sflag:s6], $0x1000  }
0x85: {  	[sflag:s6] =	ssyncset.done $0x0  }
0x86: {  	[sflag:s6] =	ssyncadd.s32 $0xFFFFF000  }
0x87: {  	[tilespmem:s15], [sflag:$0x1] =	stream.indirect.gather [hbm4b:s2+s19], $0x40, s25, s19, $0xb8;
	[tilespmem:$0x6400] =	vst v63  }
0x88: {  	_ = 	snop  }
0x89: {  	[tilespmem:s16], [sflag:$0x1] =	stream.indirect.gather [hbm4b:s3+s19], $0x20, s26, s19, $0xb8;
	[tilespmem:$0x6400] =	vst v63  }
0x8a: {  	_ =	swait.ge [sflag:s7], $0x2000  }
0x8b: {  	[sflag:s7] =	ssyncset.done $0x0  }
0x8c: {  	[sflag:s7] =	ssyncadd.s32 $0xFFFFE000  }
0x8d: {  	_ =	swait.ge [sflag:s7], $0x1000  }
0x8e: {  	[sflag:s7] =	ssyncset.done $0x0  }
0x8f: {  	[sflag:s7] =	ssyncadd.s32 $0xFFFFF000  }
0x90: {  	[hbm4b:s17+s12] =	stream.strided.scatter [tilespmem:s10], [sflag:$0x2], $0x2000, s13, s12, $0x38;
	[tilespmem:$0x6400] =	vst v63  }
0x91: {  	_ = 	snop  }
0x92: {  	[hbm4b:s18+s14] =	stream.strided.scatter [tilespmem:s11], [sflag:$0x2], $0x1000, s13, s14, $0x38;
	[tilespmem:$0x6400] =	vst v63  }
0x93: {  	_ =	swait.ge [sflag:s6], $0x2000  }
0x94: {  	[sflag:s6] =	ssyncset.done $0x0  }
0x95: {  	[sflag:s6] =	ssyncadd.s32 $0xFFFFE000  }
0x96: {  	_ =	swait.ge [sflag:s6], $0x1000  }
0x97: {  	[sflag:s6] =	ssyncset.done $0x0  }
0x98: {  	[sflag:s6] =	ssyncadd.s32 $0xFFFFF000  }
0x99: {  	[tilespmem:s10], [sflag:$0x1] =	stream.indirect.gather [hbm4b:s2+s19], $0x40, s23, s19, $0xb8;
	[tilespmem:$0x6400] =	vst v63  }
0x9a: {  	_ = 	snop  }
0x9b: {  	[tilespmem:s11], [sflag:$0x1] =	stream.indirect.gather [hbm4b:s3+s19], $0x20, s24, s19, $0xb8;
	[tilespmem:$0x6400] =	vst v63  }
0x9c: {  	_ =	swait.ge [sflag:s7], $0x2000  }
0x9d: {  	[sflag:s7] =	ssyncset.done $0x0  }
0x9e: {  	[sflag:s7] =	ssyncadd.s32 $0xFFFFE000  }
0x9f: {  	_ =	swait.ge [sflag:s7], $0x1000  }
0xa0: {  	[sflag:s7] =	ssyncset.done $0x0  }
0xa1: {  	[sflag:s7] =	ssyncadd.s32 $0xFFFFF000  }
0xa2: {  	[hbm4b:s8+s12] =	stream.strided.scatter [tilespmem:s15], [sflag:$0x2], $0x2000, s13, s12, $0x38;
	[tilespmem:$0x6400] =	vst v63  }
0xa3: {  	_ = 	snop  }
0xa4: {  	[hbm4b:s9+s14] =	stream.strided.scatter [tilespmem:s16], [sflag:$0x2], $0x1000, s13, s14, $0x38;
	[tilespmem:$0x6400] =	vst v63  }
0xa5: {  	_ =	swait.ge [sflag:s7], $0x2000  }
0xa6: {  	[sflag:s7] =	ssyncset.done $0x0  }
0xa7: {  	[sflag:s7] =	ssyncadd.s32 $0xFFFFE000  }
0xa8: {  	_ =	swait.ge [sflag:s7], $0x1000  }
0xa9: {  	[sflag:s7] =	ssyncset.done $0x0  }
0xaa: {  	[sflag:s7] =	ssyncadd.s32 $0xFFFFF000  }
0xab: {  	[hbm4b:s4+s12] =	stream.strided.scatter [tilespmem:s10], [sflag:$0x2], $0x2000, s13, s12, $0x38;
	[tilespmem:$0x6400] =	vst v63  }
0xac: {  	_ = 	snop  }
0xad: {  	[hbm4b:s5+s14] =	stream.strided.scatter [tilespmem:s11], [sflag:$0x2], $0x1000, s13, s14, $0x38;
	[tilespmem:$0x6400] =	vst v63  }
0xae: {  	_ =	swait.ge [sflag:s6], $0x2000  }
0xaf: {  	[sflag:s6] =	ssyncset.done $0x0  }
0xb0: {  	[sflag:s6] =	ssyncadd.s32 $0xFFFFE000  }
0xb1: {  	_ =	swait.ge [sflag:s6], $0x1000  }
0xb2: {  	[sflag:s6] =	ssyncset.done $0x0  }
0xb3: {  	p1 =	sne.s32 s31, $0x1;
	[sflag:s6] =	ssyncadd.s32 $0xFFFFF000  }
.Ltmp2:
0xb4: {  	_ =	swait.ge [sflag:s6], $0x2000;
	(pc) =	sbr.rel @p1 .LBB2_2-.Ltmp2, $4  }
0xb5: {  	[sflag:s6] =	ssyncset.done $0x0  }
0xb6: {  	[sflag:s6] =	ssyncadd.s32 $0xFFFFE000  }
0xb7: {  	_ =	swait.ge [sflag:s6], $0x1000  }
0xb8: {  	s31 =	sadd.s32 $0xFFFFFFFF, s31;
	s0 =	rddreg [dreg:$0x5];
	[sflag:s6] =	ssyncset.done $0x0  }
.LBB2_3:
0xb9: {  	[sflag:s6] =	ssyncadd.s32 @p0 $0xFFFFF000  }
0xba: {  	[tilespmem:s20], [sflag:$0x1] =	stream.linear.gather [hbm4b:s0+s20], $0x200, $0x38;
	[tilespmem:$0x6400] =	vst v63  }
0xbb: {  	_ = 	snop  }
0xbc: {  	[tilespmem:s29], [sflag:$0x1] =	stream.linear.gather [hbm4b:s28+s20], $0x200, $0x38;
	[tilespmem:$0x6400] =	vst v63  }
0xbd: {  	_ =	swait.ge [sflag:s7], $0x200  }
0xbe: {  	[sflag:s7] =	ssyncset.done $0x0  }
0xbf: {  	[sflag:s7] =	ssyncadd.s32 $0xFFFFFE00  }
0xc0: {  	_ =	swait.ge [sflag:s7], $0x200  }
0xc1: {  	[sflag:s7] =	ssyncset.done $0x0  }
0xc2: {  	[sflag:s7] =	ssyncadd.s32 $0xFFFFFE00  }
0xc3: {  	[tilespmem:s15], [sflag:$0x1] =	stream.indirect.gather [hbm4b:s2+s19], $0x40, s20, s19, $0xb8;
	[tilespmem:$0x6400] =	vst v63  }
0xc4: {  	_ = 	snop  }
0xc5: {  	[tilespmem:s16], [sflag:$0x1] =	stream.indirect.gather [hbm4b:s3+s19], $0x20, s29, s19, $0xb8;
	[tilespmem:$0x6400] =	vst v63  }
0xc6: {  	_ = 	snop  }
0xc7: {  	[tilespmem:s10], [sflag:$0x1] =	stream.indirect.gather [hbm4b:s2+s19], $0x40, s19, s19, $0xb8;
	[tilespmem:$0x6400] =	vst v63  }
0xc8: {  	_ = 	snop  }
0xc9: {  	[tilespmem:s11], [sflag:$0x1] =	stream.indirect.gather [hbm4b:s3+s19], $0x20, s30, s19, $0xb8;
	[tilespmem:$0x6400] =	vst v63  }
0xca: {  	_ =	swait.ge [sflag:s7], $0x2000  }
0xcb: {  	[sflag:s7] =	ssyncset.done $0x0  }
0xcc: {  	[sflag:s7] =	ssyncadd.s32 $0xFFFFE000  }
0xcd: {  	_ =	swait.ge [sflag:s7], $0x1000  }
0xce: {  	[sflag:s7] =	ssyncset.done $0x0  }
0xcf: {  	[sflag:s7] =	ssyncadd.s32 $0xFFFFF000  }
0xd0: {  	[hbm4b:s21+s12] =	stream.strided.scatter [tilespmem:s15], [sflag:$0x2], $0x2000, s13, s12, $0x38;
	[tilespmem:$0x6400] =	vst v63  }
0xd1: {  	_ = 	snop  }
0xd2: {  	[hbm4b:s22+s14] =	stream.strided.scatter [tilespmem:s16], [sflag:$0x2], $0x1000, s13, s14, $0x38;
	[tilespmem:$0x6400] =	vst v63  }
0xd3: {  	_ =	swait.ge [sflag:s6], $0x2000  }
0xd4: {  	[sflag:s6] =	ssyncset.done $0x0  }
0xd5: {  	[sflag:s6] =	ssyncadd.s32 $0xFFFFE000  }
0xd6: {  	_ =	swait.ge [sflag:s6], $0x1000  }
0xd7: {  	[sflag:s6] =	ssyncset.done $0x0  }
0xd8: {  	[sflag:s6] =	ssyncadd.s32 $0xFFFFF000  }
0xd9: {  	[tilespmem:s15], [sflag:$0x1] =	stream.indirect.gather [hbm4b:s2+s19], $0x40, s25, s19, $0xb8;
	[tilespmem:$0x6400] =	vst v63  }
0xda: {  	_ = 	snop  }
0xdb: {  	[tilespmem:s16], [sflag:$0x1] =	stream.indirect.gather [hbm4b:s3+s19], $0x20, s26, s19, $0xb8;
	[tilespmem:$0x6400] =	vst v63  }
0xdc: {  	_ =	swait.ge [sflag:s7], $0x2000  }
0xdd: {  	[sflag:s7] =	ssyncset.done $0x0  }
0xde: {  	[sflag:s7] =	ssyncadd.s32 $0xFFFFE000  }
0xdf: {  	_ =	swait.ge [sflag:s7], $0x1000  }
0xe0: {  	[sflag:s7] =	ssyncset.done $0x0  }
0xe1: {  	[sflag:s7] =	ssyncadd.s32 $0xFFFFF000  }
0xe2: {  	[hbm4b:s17+s12] =	stream.strided.scatter [tilespmem:s10], [sflag:$0x2], $0x2000, s13, s12, $0x38;
	[tilespmem:$0x6400] =	vst v63  }
0xe3: {  	_ = 	snop  }
0xe4: {  	[hbm4b:s18+s14] =	stream.strided.scatter [tilespmem:s11], [sflag:$0x2], $0x1000, s13, s14, $0x38;
	[tilespmem:$0x6400] =	vst v63  }
0xe5: {  	_ =	swait.ge [sflag:s6], $0x2000  }
0xe6: {  	[sflag:s6] =	ssyncset.done $0x0  }
0xe7: {  	[sflag:s6] =	ssyncadd.s32 $0xFFFFE000  }
0xe8: {  	_ =	swait.ge [sflag:s6], $0x1000  }
0xe9: {  	[sflag:s6] =	ssyncset.done $0x0  }
0xea: {  	[sflag:s6] =	ssyncadd.s32 $0xFFFFF000  }
0xeb: {  	[tilespmem:s10], [sflag:$0x1] =	stream.indirect.gather [hbm4b:s2+s19], $0x40, s23, s19, $0xb8;
	[tilespmem:$0x6400] =	vst v63  }
0xec: {  	_ = 	snop  }
0xed: {  	[tilespmem:s11], [sflag:$0x1] =	stream.indirect.gather [hbm4b:s3+s19], $0x20, s24, s19, $0xb8;
	[tilespmem:$0x6400] =	vst v63  }
0xee: {  	_ =	swait.ge [sflag:s7], $0x2000  }
0xef: {  	[sflag:s7] =	ssyncset.done $0x0  }
0xf0: {  	[sflag:s7] =	ssyncadd.s32 $0xFFFFE000  }
0xf1: {  	_ =	swait.ge [sflag:s7], $0x1000  }
0xf2: {  	[sflag:s7] =	ssyncset.done $0x0  }
0xf3: {  	[sflag:s7] =	ssyncadd.s32 $0xFFFFF000  }
0xf4: {  	[hbm4b:s8+s12] =	stream.strided.scatter [tilespmem:s15], [sflag:$0x2], $0x2000, s13, s12, $0x38;
	[tilespmem:$0x6400] =	vst v63  }
0xf5: {  	_ = 	snop  }
0xf6: {  	[hbm4b:s9+s14] =	stream.strided.scatter [tilespmem:s16], [sflag:$0x2], $0x1000, s13, s14, $0x38;
	[tilespmem:$0x6400] =	vst v63  }
0xf7: {  	_ =	swait.ge [sflag:s7], $0x2000  }
0xf8: {  	[sflag:s7] =	ssyncset.done $0x0  }
0xf9: {  	[sflag:s7] =	ssyncadd.s32 $0xFFFFE000  }
0xfa: {  	_ =	swait.ge [sflag:s7], $0x1000  }
0xfb: {  	[sflag:s7] =	ssyncset.done $0x0  }
0xfc: {  	[sflag:s7] =	ssyncadd.s32 $0xFFFFF000  }
0xfd: {  	[hbm4b:s4+s12] =	stream.strided.scatter [tilespmem:s10], [sflag:$0x2], $0x2000, s13, s12, $0x38;
	[tilespmem:$0x6400] =	vst v63  }
0xfe: {  	_ = 	snop  }
0xff: {  	[hbm4b:s5+s14] =	stream.strided.scatter [tilespmem:s11], [sflag:$0x2], $0x1000, s13, s14, $0x38;
	[tilespmem:$0x6400] =	vst v63  }
0x100: {  	_ =	swait.ge [sflag:s6], $0x2000  }
0x101: {  	[sflag:s6] =	ssyncset.done $0x0  }
0x102: {  	[sflag:s6] =	ssyncadd.s32 $0xFFFFE000  }
0x103: {  	_ =	swait.ge [sflag:s6], $0x1000  }
0x104: {  	[sflag:s6] =	ssyncset.done $0x0  }
0x105: {  	[sflag:s6] =	ssyncadd.s32 $0xFFFFF000  }
0x106: {  	_ =	swait.ge [sflag:s6], $0x2000  }
0x107: {  	[sflag:s6] =	ssyncset.done $0x0  }
0x108: {  	[sflag:s6] =	ssyncadd.s32 $0xFFFFE000  }
0x109: {  	_ =	swait.ge [sflag:s6], $0x1000  }
0x10a: {  	[sflag:s6] =	ssyncset.done $0x0  }
0x10b: {  	[sflag:s6] =	ssyncadd.s32 $0xFFFFF000  }
0x10c: {  	_ =	sfence.sel $0x180000  }
0x10d: {  	[bflag:$0x0] =	sbarrier.arrive $0xFFFF  }
0x10e: {  	_ =	strace $0x90000047  }
0x10f: {  	[bflag:$0x2] =	sbarrier.arrive $0xFFFF  }
0x110: {  	p0 =	sne.s32 s1, $0x0;
	s0 =	rddreg [dreg:$0x4]  }
0x111: {  	s0 =	sadd.s32 @!p0 $0x100000, s0  }
0x112: {  	[sflag:s0] =	ssyncadd.tile.s32 @!p0 $0x1;
	_ =	shalt  }
.Lfunc_end2:
_tile_overlayer_lowered:
.L_overlay_start_2:
0x113: {  	(tag) =	ssettag $0x2  }
0x114: {  	s0 =	rddreg [dreg:$0x0];
	s2 =	stileid.u32  }
0x115: {  	s1 =	rddreg [dreg:$0x1];
	p0 =	sne.s32 s2, $0x0  }
0x116: {  	s3 =	rddreg [dreg:$0x2];
	[bflag:$0x3] =	sbarrier.arrive $0xFFFF;
	s2 =	simm.s32 @!p0 $0x1C03  }
0x117: {  	[timem:s3], [sflag:s2] =	dma.local @!p0 [hbm:s0], s1  }
0x118: {  	s0 =	simm.s32 @!p0 $0x3  }
0x119: {  	_ =	swait.ge @!p0 [sflag:s0], s1  }
0x11a: {  	s1 =	ssub.s32 @!p0 $0x0, s1;
	[sflag:s0] =	ssyncset.done @!p0 $0x0  }
0x11b: {  	[sflag:s0] =	ssyncadd.s32 @!p0 s1  }
0x11c: {  	[bflag:$0x3] =	sbarrier.arrive $0xFFFF  }
0x11d: {  	_ =	shalt  }

</sc_bundles>
